<compile_context>
chip_gen: v7x
topology: tpu7x:2x2x1
jax: 0.10.2.dev20260603
libtpu: 0.0.44.dev20260713+nightly
codegen_flags: <defaults>
</compile_context>

<pallas_src>
import functools

import jax
import jax.numpy as jnp
from jax import lax
from jax.experimental import pallas as pl
from jax.experimental.pallas import tpu as pltpu
from jax.experimental.pallas import tpu_sc as plsc

_N_TABLES = 10
_N_EMB = 1000000
_DIM = 3
_N_IDX = 327680

_NB = 1 << 20
_CHUNKS = 80

_BK = 65536
_KSTEPS = -(-_N_EMB // _BK)


def _sc_histogram(eb4):
    mesh = plsc.VectorSubcoreMesh(core_axis_name="c", subcore_axis_name="s")

    @functools.partial(
        pl.kernel,
        mesh=mesh,
        out_type=jax.ShapeDtypeStruct((2, _NB), jnp.float32),
        scratch_types=[
            pltpu.VMEM((_CHUNKS, 128), jnp.int32),
            pltpu.VMEM((128,), jnp.float32),
            pltpu.VMEM((4096,), jnp.float32),
            pltpu.VMEM_SHARED((_NB,), jnp.float32),
        ],
    )
    def hist(eb_hbm, out_hbm, idx_v, ones_v, zbuf_v, counts_sh):
        c = lax.axis_index("c")
        s = lax.axis_index("s")

        def fill_z(i, carry):
            zbuf_v[pl.ds(i * 16, 16)] = jnp.zeros((16,), jnp.float32)
            return carry

        lax.fori_loop(0, 256, fill_z, 0)

        def fill_o(i, carry):
            ones_v[pl.ds(i * 16, 16)] = jnp.ones((16,), jnp.float32)
            return carry

        lax.fori_loop(0, 8, fill_o, 0)

        base = s * (_NB // 16)

        def zero_c(i, carry):
            pltpu.sync_copy(zbuf_v, counts_sh.at[pl.ds(base + i * 4096, 4096)])
            return carry

        lax.fori_loop(0, _NB // 16 // 4096, zero_c, 0)

        pltpu.sync_copy(eb_hbm.at[c].at[s], idx_v)
        plsc.subcore_barrier()

        def scat(j, carry):
            pltpu.sync_copy(ones_v, counts_sh.at[idx_v.at[j]], add=True)
            return carry

        lax.fori_loop(0, _CHUNKS, scat, 0)
        plsc.subcore_barrier()

        pltpu.sync_copy(
            counts_sh.at[pl.ds(base, _NB // 16)],
            out_hbm.at[c].at[pl.ds(base, _NB // 16)],
        )

    return hist(eb4)


_NQ = 4
_BQ = _BK // _NQ
_QLAST = (_N_EMB - 1) // _BQ


def _tc_body(c_ref, t0_ref, t1_ref, t2_ref, t3_ref, o_ref, acc_ref, cb3_ref):
    k = pl.program_id(0)
    t = pl.program_id(1)

    @pl.when(t == 0)
    def _():
        csum = c_ref[0:1, :] + c_ref[1:2, :]
        cb3_ref[...] = jnp.broadcast_to(csum, (_DIM, _BK))

    @pl.when(k == 0)
    def _():
        for q, tq in enumerate((t0_ref, t1_ref, t2_ref, t3_ref)):
            acc_ref[t, :, q * _BQ:(q + 1) * _BQ] = (
                tq[0] * cb3_ref[:, q * _BQ:(q + 1) * _BQ])

    @pl.when(k > 0)
    def _():
        for q, tq in enumerate((t0_ref, t1_ref, t2_ref, t3_ref)):
            acc_ref[t, :, q * _BQ:(q + 1) * _BQ] += (
                tq[0] * cb3_ref[:, q * _BQ:(q + 1) * _BQ])

    @pl.when(k == _KSTEPS - 1)
    def _():
        @pl.when(t == 0)
        def _():
            o_ref[...] = jnp.zeros_like(o_ref)

        s = jnp.sum(acc_ref[t], axis=1)
        lanes = lax.broadcasted_iota(jnp.int32, (1, 128), 1)
        contrib = jnp.zeros((1, 128), jnp.float32)
        for d in range(3):
            c = jnp.where(
                t < 5, 3 * t + d,
                jnp.where(t == 5, 15, jnp.where(t == 6, 16, 3 * t - 4 + d)),
            )
            contrib = contrib + jnp.where(lanes == c, s[d], 0.0)
        o_ref[...] += contrib


def _tc_reduce(tt, counts):
    return pl.pallas_call(
        _tc_body,
        grid=(_KSTEPS, _N_TABLES),
        in_specs=[
            pl.BlockSpec((2, _BK), lambda k, t: (0, k)),
            pl.BlockSpec((1, _DIM, _BQ),
                         lambda k, t: (t, 0, jnp.minimum(_NQ * k, _QLAST))),
            pl.BlockSpec((1, _DIM, _BQ),
                         lambda k, t: (t, 0, jnp.minimum(_NQ * k + 1, _QLAST))),
            pl.BlockSpec((1, _DIM, _BQ),
                         lambda k, t: (t, 0, jnp.minimum(_NQ * k + 2, _QLAST))),
            pl.BlockSpec((1, _DIM, _BQ),
                         lambda k, t: (t, 0, jnp.minimum(_NQ * k + 3, _QLAST))),
        ],
        out_specs=pl.BlockSpec((1, 128), lambda k, t: (0, 0)),
        out_shape=jax.ShapeDtypeStruct((1, 128), jnp.float32),
        scratch_shapes=[
            pltpu.VMEM((_N_TABLES, _DIM, _BK), jnp.float32),
            pltpu.VMEM((_DIM, _BK), jnp.float32),
        ],
        compiler_params=pltpu.CompilerParams(
            dimension_semantics=("arbitrary", "arbitrary"),
        ),
    )(counts, tt, tt, tt, tt)


def kernel(eb_input, eb_offset, tables):
    del eb_offset
    eb4 = eb_input.reshape(2, 16, _CHUNKS, 128)
    counts = _sc_histogram(eb4)
    tt = jnp.swapaxes(tables, 1, 2)
    return _tc_reduce(tt, counts)[0, :26]

# --- scband reference (transcript-rebuilt; emitter-appended) ---
"""Pipeline reference for scband-custom-model-embedding-bag-sum-nodes-3753801417100 (READ-ONLY COPY).

The authoritative reference and input builder live on the scoring server;
editing this copy changes nothing except your own understanding.
"""

import jax, jax.numpy as jnp
import numpy as np

NUM_EMB = 1000000
DIM = 3
N_INDICES = 327680
N_BAGS = 16384
N_TABLES = 10


def setup_inputs(seed: int = 0) -> dict:
    key = jax.random.key(seed)
    k1, k2 = jax.random.split(key)
    eb_input = jax.random.randint(k1, (N_INDICES,), 0, NUM_EMB, dtype=jnp.int32)
    eb_offset = jnp.arange(N_BAGS, dtype=jnp.int32)
    tables = jax.random.normal(k2, (N_TABLES, NUM_EMB, DIM), dtype=jnp.float32)
    return {"eb_input": eb_input, "eb_offset": eb_offset, "tables": tables}


def reference(eb_input, eb_offset, tables):
    n = eb_input.shape[0]
    b = eb_offset.shape[0]
    pos = jnp.arange(n, dtype=eb_offset.dtype)
    # segment id of each index position: bag i covers [offset[i], offset[i+1])
    seg = jnp.searchsorted(eb_offset, pos, side='right') - 1
    outs = []
    for i in range(N_TABLES):
        gathered = jnp.take(tables[i], eb_input, axis=0)  # [N, 3]
        bag_sum = jax.ops.segment_sum(gathered, seg, num_segments=b)  # [B, 3]
        outs.append(bag_sum)
    outs[5] = jnp.sum(outs[5], axis=1, keepdims=True)
    outs[6] = jnp.sum(outs[6], axis=1, keepdims=True)
    output = jnp.sum(jnp.concatenate(outs, axis=1), axis=0)  # [8*3 + 2] = [26]
    return output

if __name__ == "__main__":
    import jax
    _d = setup_inputs()
    print(jax.jit(kernel)(*tuple(_d.values())))

</pallas_src>

<mosaic_0001>
#map = affine_map<(d0, d1) -> (0, 0, 0, 0)>
#map1 = affine_map<(d0, d1) -> (0, 0)>
module attributes {stable_mosaic.version = 14 : i64} {
  func.func @hist(%arg0: i32, %arg1: i32, %arg2: memref<2x16x80x128xi32, #tpu.memory_space<hbm>>, %arg3: memref<2x1048576xf32, #tpu.memory_space<hbm>>, %arg4: memref<80x128xi32, #tpu.memory_space<vmem>>, %arg5: memref<128xf32, #tpu.memory_space<vmem>>, %arg6: memref<4096xf32, #tpu.memory_space<vmem>>, %arg7: memref<1048576xf32, #tpu.memory_space<vmem_shared>>) attributes {dimension_semantics = [#tpu.dimension_semantics<core_parallel>, #tpu.dimension_semantics<subcore_parallel>], iteration_bounds = array<i64: 2, 16>, scalar_prefetch = 0 : i64, scratch_operands = 4 : i64, tpu.core_type = #tpu.core_type<sc_vector_subcore>, window_params = [{transform_indices = #map}, {transform_indices = #map1}]} {
    %scan3A = arith.constant 0 : i32
    %scan3A_0 = arith.constant 0 : i32
    %scan3A_1 = arith.constant 256 : i32
    %scan3A_2 = arith.addi %scan3A_0, %scan3A_1 : i32
    %scan3A_3 = arith.constant 1 : i32
    scf.for %scan3A_25 = %scan3A_0 to %scan3A_2 step %scan3A_3  : i32 {
      %broadcast_in_dim3A = arith.constant 0.000000e+00 : f32
      %broadcast_in_dim3A_26 = vector.broadcast %broadcast_in_dim3A : f32 to vector<16xf32>
      %mul3A_27 = arith.constant 16 : i32
      %mul3A_28 = arith.muli %scan3A_25, %mul3A_27 : i32
      %swap3A = arith.index_cast %mul3A_28 : i32 to index
      %swap3A_29 = tpu.vector_load %arg6[%swap3A] {strides = array<i32>} : memref<4096xf32, #tpu.memory_space<vmem>>, vector<16xf32>,
      %swap3A_30 = vector.shape_cast %swap3A_29 : vector<16xf32> to vector<16xf32>
      %swap3A_31 = vector.shape_cast %broadcast_in_dim3A_26 : vector<16xf32> to vector<16xf32>
      tpu.vector_store %arg6[%swap3A], %swap3A_31 {strides = array<i32>} : memref<4096xf32, #tpu.memory_space<vmem>>, vector<16xf32>,
    }
    %scan3A_4 = arith.constant 256 : i32
    %scan3A_5 = arith.constant 0 : i32
    %scan3A_6 = arith.constant 0 : i32
    %scan3A_7 = arith.constant 8 : i32
    %scan3A_8 = arith.addi %scan3A_6, %scan3A_7 : i32
    %scan3A_9 = arith.constant 1 : i32
    scf.for %scan3A_25 = %scan3A_6 to %scan3A_8 step %scan3A_9  : i32 {
      %broadcast_in_dim3A = arith.constant 1.000000e+00 : f32
      %broadcast_in_dim3A_26 = vector.broadcast %broadcast_in_dim3A : f32 to vector<16xf32>
      %mul3A_27 = arith.constant 16 : i32
      %mul3A_28 = arith.muli %scan3A_25, %mul3A_27 : i32
      %swap3A = arith.index_cast %mul3A_28 : i32 to index
      %swap3A_29 = tpu.vector_load %arg5[%swap3A] {strides = array<i32>} : memref<128xf32, #tpu.memory_space<vmem>>, vector<16xf32>,
      %swap3A_30 = vector.shape_cast %swap3A_29 : vector<16xf32> to vector<16xf32>
      %swap3A_31 = vector.shape_cast %broadcast_in_dim3A_26 : vector<16xf32> to vector<16xf32>
      tpu.vector_store %arg5[%swap3A], %swap3A_31 {strides = array<i32>} : memref<128xf32, #tpu.memory_space<vmem>>, vector<16xf32>,
    }
    %scan3A_10 = arith.constant 8 : i32
    %mul3A = arith.constant 65536 : i32
    %mul3A_11 = arith.muli %arg1, %mul3A : i32
    %scan3A_12 = arith.constant 0 : i32
    %scan3A_13 = arith.constant 0 : i32
    %scan3A_14 = arith.constant 16 : i32
    %scan3A_15 = arith.addi %scan3A_13, %scan3A_14 : i32
    %scan3A_16 = arith.constant 1 : i32
    scf.for %scan3A_25 = %scan3A_13 to %scan3A_15 step %scan3A_16  : i32 {
      %mul3A_26 = arith.constant 4096 : i32
      %mul3A_27 = arith.muli %scan3A_25, %mul3A_26 : i32
      %add3A = arith.addi %mul3A_11, %mul3A_27 : i32
      "tpu.region"() ({
        %run_scoped3A = tpu.sem_alloc : memref<!tpu.dma_semaphore, #tpu.memory_space<semaphore_mem>>
        %dma_start3A = tpu.memref_slice %arg7[%add3A] : memref<1048576xf32, #tpu.memory_space<vmem_shared>> -> memref<4096xf32, #tpu.memory_space<vmem_shared>>
        %dma_start3A_28 = tpu.memref_slice %arg7[%add3A] : memref<1048576xf32, #tpu.memory_space<vmem_shared>> -> memref<4096xf32, #tpu.memory_space<vmem_shared>>
        tpu.enqueue_dma source(%arg6 : memref<4096xf32, #tpu.memory_space<vmem>>) target(%dma_start3A_28 : memref<4096xf32, #tpu.memory_space<vmem_shared>>) target_semaphore(%run_scoped3A : memref<!tpu.dma_semaphore, #tpu.memory_space<semaphore_mem>>)
        %dma_wait3A = tpu.memref_slice %arg7[%add3A] : memref<1048576xf32, #tpu.memory_space<vmem_shared>> -> memref<4096xf32, #tpu.memory_space<vmem_shared>>
        %dma_wait3A_29 = tpu.memref_slice %arg7[%add3A] : memref<1048576xf32, #tpu.memory_space<vmem_shared>> -> memref<4096xf32, #tpu.memory_space<vmem_shared>>
        tpu.wait_dma2 semaphore(%run_scoped3A : memref<!tpu.dma_semaphore, #tpu.memory_space<semaphore_mem>>) src(%arg6 : memref<4096xf32, #tpu.memory_space<vmem>>) dst(%dma_wait3A_29 : memref<4096xf32, #tpu.memory_space<vmem_shared>>)
        tpu.yield
      }) : () -> ()
    }
    %scan3A_17 = arith.constant 16 : i32
    "tpu.region"() ({
      %run_scoped3A = tpu.sem_alloc : memref<!tpu.dma_semaphore, #tpu.memory_space<semaphore_mem>>
      %dma_start3A = arith.constant 0 : i32
      %dma_start3A_25 = arith.constant 0 : i32
      %dma_start3A_26 = arith.constant 0 : i32
      %dma_start3A_27 = tpu.memref_slice %arg2[%arg0, %dma_start3A, %dma_start3A_25, %dma_start3A_26] : memref<2x16x80x128xi32, #tpu.memory_space<hbm>> -> memref<1x16x80x128xi32, #tpu.memory_space<hbm>>
      %dma_start3A_28 = tpu.memref_squeeze %dma_start3A_27 : memref<1x16x80x128xi32, #tpu.memory_space<hbm>> -> memref<16x80x128xi32, #tpu.memory_space<hbm>>
      %dma_start3A_29 = arith.constant 0 : i32
      %dma_start3A_30 = arith.constant 0 : i32
      %dma_start3A_31 = tpu.memref_slice %dma_start3A_28[%arg1, %dma_start3A_29, %dma_start3A_30] : memref<16x80x128xi32, #tpu.memory_space<hbm>> -> memref<1x80x128xi32, #tpu.memory_space<hbm>>
      %dma_start3A_32 = tpu.memref_squeeze %dma_start3A_31 : memref<1x80x128xi32, #tpu.memory_space<hbm>> -> memref<80x128xi32, #tpu.memory_space<hbm>>
      %dma_start3A_33 = arith.constant 0 : i32
      %dma_start3A_34 = arith.constant 0 : i32
      %dma_start3A_35 = arith.constant 0 : i32
      %dma_start3A_36 = tpu.memref_slice %arg2[%arg0, %dma_start3A_33, %dma_start3A_34, %dma_start3A_35] : memref<2x16x80x128xi32, #tpu.memory_space<hbm>> -> memref<1x16x80x128xi32, #tpu.memory_space<hbm>>
      %dma_start3A_37 = tpu.memref_squeeze %dma_start3A_36 : memref<1x16x80x128xi32, #tpu.memory_space<hbm>> -> memref<16x80x128xi32, #tpu.memory_space<hbm>>
      %dma_start3A_38 = arith.constant 0 : i32
      %dma_start3A_39 = arith.constant 0 : i32
      %dma_start3A_40 = tpu.memref_slice %dma_start3A_37[%arg1, %dma_start3A_38, %dma_start3A_39] : memref<16x80x128xi32, #tpu.memory_space<hbm>> -> memref<1x80x128xi32, #tpu.memory_space<hbm>>
      %dma_start3A_41 = tpu.memref_squeeze %dma_start3A_40 : memref<1x80x128xi32, #tpu.memory_space<hbm>> -> memref<80x128xi32, #tpu.memory_space<hbm>>
      tpu.enqueue_dma source(%dma_start3A_41 : memref<80x128xi32, #tpu.memory_space<hbm>>) target(%arg4 : memref<80x128xi32, #tpu.memory_space<vmem>>) target_semaphore(%run_scoped3A : memref<!tpu.dma_semaphore, #tpu.memory_space<semaphore_mem>>)
      %dma_wait3A = arith.constant 0 : i32
      %dma_wait3A_42 = arith.constant 0 : i32
      %dma_wait3A_43 = arith.constant 0 : i32
      %dma_wait3A_44 = tpu.memref_slice %arg2[%arg0, %dma_wait3A, %dma_wait3A_42, %dma_wait3A_43] : memref<2x16x80x128xi32, #tpu.memory_space<hbm>> -> memref<1x16x80x128xi32, #tpu.memory_space<hbm>>
      %dma_wait3A_45 = tpu.memref_squeeze %dma_wait3A_44 : memref<1x16x80x128xi32, #tpu.memory_space<hbm>> -> memref<16x80x128xi32, #tpu.memory_space<hbm>>
      %dma_wait3A_46 = arith.constant 0 : i32
      %dma_wait3A_47 = arith.constant 0 : i32
      %dma_wait3A_48 = tpu.memref_slice %dma_wait3A_45[%arg1, %dma_wait3A_46, %dma_wait3A_47] : memref<16x80x128xi32, #tpu.memory_space<hbm>> -> memref<1x80x128xi32, #tpu.memory_space<hbm>>
      %dma_wait3A_49 = tpu.memref_squeeze %dma_wait3A_48 : memref<1x80x128xi32, #tpu.memory_space<hbm>> -> memref<80x128xi32, #tpu.memory_space<hbm>>
      %dma_wait3A_50 = arith.constant 0 : i32
      %dma_wait3A_51 = arith.constant 0 : i32
      %dma_wait3A_52 = arith.constant 0 : i32
      %dma_wait3A_53 = tpu.memref_slice %arg2[%arg0, %dma_wait3A_50, %dma_wait3A_51, %dma_wait3A_52] : memref<2x16x80x128xi32, #tpu.memory_space<hbm>> -> memref<1x16x80x128xi32, #tpu.memory_space<hbm>>
      %dma_wait3A_54 = tpu.memref_squeeze %dma_wait3A_53 : memref<1x16x80x128xi32, #tpu.memory_space<hbm>> -> memref<16x80x128xi32, #tpu.memory_space<hbm>>
      %dma_wait3A_55 = arith.constant 0 : i32
      %dma_wait3A_56 = arith.constant 0 : i32
      %dma_wait3A_57 = tpu.memref_slice %dma_wait3A_54[%arg1, %dma_wait3A_55, %dma_wait3A_56] : memref<16x80x128xi32, #tpu.memory_space<hbm>> -> memref<1x80x128xi32, #tpu.memory_space<hbm>>
      %dma_wait3A_58 = tpu.memref_squeeze %dma_wait3A_57 : memref<1x80x128xi32, #tpu.memory_space<hbm>> -> memref<80x128xi32, #tpu.memory_space<hbm>>
      tpu.wait_dma2 semaphore(%run_scoped3A : memref<!tpu.dma_semaphore, #tpu.memory_space<semaphore_mem>>) src(%dma_wait3A_58 : memref<80x128xi32, #tpu.memory_space<hbm>>) dst(%arg4 : memref<80x128xi32, #tpu.memory_space<vmem>>)
      tpu.yield
    }) : () -> ()
    %barrier3A = arith.constant 0 : index
    tpu.barrier barrier_id(%barrier3A)
    %scan3A_18 = arith.constant 0 : i32
    %scan3A_19 = arith.constant 0 : i32
    %scan3A_20 = arith.constant 80 : i32
    %scan3A_21 = arith.addi %scan3A_19, %scan3A_20 : i32
    %scan3A_22 = arith.constant 1 : i32
    scf.for %scan3A_25 = %scan3A_19 to %scan3A_21 step %scan3A_22  : i32 {
      "tpu.region"() ({
        %run_scoped3A = tpu.sem_alloc : memref<!tpu.dma_semaphore, #tpu.memory_space<semaphore_mem>>
        %dma_start3A = arith.constant 0 : i32
        %dma_start3A_26 = tpu.memref_slice %arg4[%scan3A_25, %dma_start3A] : memref<80x128xi32, #tpu.memory_space<vmem>> -> memref<1x128xi32, #tpu.memory_space<vmem>>
        %dma_start3A_27 = tpu.memref_squeeze %dma_start3A_26 : memref<1x128xi32, #tpu.memory_space<vmem>> -> memref<128xi32, #tpu.memory_space<vmem>>
        %dma_start3A_28 = arith.constant 0 : i32
        %dma_start3A_29 = tpu.memref_slice %arg7[%dma_start3A_28] : memref<1048576xf32, #tpu.memory_space<vmem_shared>> -> memref<1048576xf32, #tpu.memory_space<vmem_shared>>
        tpu.enqueue_indirect_dma source(%arg5 : memref<128xf32, #tpu.memory_space<vmem>>) target(%dma_start3A_29 : memref<1048576xf32, #tpu.memory_space<vmem_shared>>) offsets(%dma_start3A_27 : memref<128xi32, #tpu.memory_space<vmem>>) semaphore(%run_scoped3A : memref<!tpu.dma_semaphore, #tpu.memory_space<semaphore_mem>>) {add = true}
        %dma_wait3A = arith.constant 0 : i32
        %dma_wait3A_30 = tpu.memref_slice %arg4[%scan3A_25, %dma_wait3A] : memref<80x128xi32, #tpu.memory_space<vmem>> -> memref<1x128xi32, #tpu.memory_space<vmem>>
        %dma_wait3A_31 = tpu.memref_squeeze %dma_wait3A_30 : memref<1x128xi32, #tpu.memory_space<vmem>> -> memref<128xi32, #tpu.memory_space<vmem>>
        %dma_wait3A_32 = arith.constant 0 : i32
        %dma_wait3A_33 = tpu.memref_slice %arg7[%dma_wait3A_32] : memref<1048576xf32, #tpu.memory_space<vmem_shared>> -> memref<1048576xf32, #tpu.memory_space<vmem_shared>>
        tpu.wait_indirect_dma semaphore(%run_scoped3A : memref<!tpu.dma_semaphore, #tpu.memory_space<semaphore_mem>>) src(%arg5 : memref<128xf32, #tpu.memory_space<vmem>>) dst(%dma_wait3A_33 : memref<1048576xf32, #tpu.memory_space<vmem_shared>>)
        tpu.yield
      }) : () -> ()
    }
    %scan3A_23 = arith.constant 80 : i32
    %barrier3A_24 = arith.constant 0 : index
    tpu.barrier barrier_id(%barrier3A_24)
    "tpu.region"() ({
      %run_scoped3A = tpu.sem_alloc : memref<!tpu.dma_semaphore, #tpu.memory_space<semaphore_mem>>
      %dma_start3A = arith.constant 0 : i32
      %dma_start3A_25 = tpu.memref_slice %arg3[%arg0, %dma_start3A] : memref<2x1048576xf32, #tpu.memory_space<hbm>> -> memref<1x1048576xf32, #tpu.memory_space<hbm>>
      %dma_start3A_26 = tpu.memref_squeeze %dma_start3A_25 : memref<1x1048576xf32, #tpu.memory_space<hbm>> -> memref<1048576xf32, #tpu.memory_space<hbm>>
      %dma_start3A_27 = tpu.memref_slice %dma_start3A_26[%mul3A_11] : memref<1048576xf32, #tpu.memory_space<hbm>> -> memref<65536xf32, #tpu.memory_space<hbm>>
      %dma_start3A_28 = tpu.memref_slice %arg7[%mul3A_11] : memref<1048576xf32, #tpu.memory_space<vmem_shared>> -> memref<65536xf32, #tpu.memory_space<vmem_shared>>
      tpu.enqueue_dma source(%dma_start3A_28 : memref<65536xf32, #tpu.memory_space<vmem_shared>>) target(%dma_start3A_27 : memref<65536xf32, #tpu.memory_space<hbm>>) target_semaphore(%run_scoped3A : memref<!tpu.dma_semaphore, #tpu.memory_space<semaphore_mem>>)
      %dma_wait3A = arith.constant 0 : i32
      %dma_wait3A_29 = tpu.memref_slice %arg3[%arg0, %dma_wait3A] : memref<2x1048576xf32, #tpu.memory_space<hbm>> -> memref<1x1048576xf32, #tpu.memory_space<hbm>>
      %dma_wait3A_30 = tpu.memref_squeeze %dma_wait3A_29 : memref<1x1048576xf32, #tpu.memory_space<hbm>> -> memref<1048576xf32, #tpu.memory_space<hbm>>
      %dma_wait3A_31 = tpu.memref_slice %dma_wait3A_30[%mul3A_11] : memref<1048576xf32, #tpu.memory_space<hbm>> -> memref<65536xf32, #tpu.memory_space<hbm>>
      %dma_wait3A_32 = tpu.memref_slice %arg7[%mul3A_11] : memref<1048576xf32, #tpu.memory_space<vmem_shared>> -> memref<65536xf32, #tpu.memory_space<vmem_shared>>
      tpu.wait_dma2 semaphore(%run_scoped3A : memref<!tpu.dma_semaphore, #tpu.memory_space<semaphore_mem>>) src(%dma_wait3A_32 : memref<65536xf32, #tpu.memory_space<vmem_shared>>) dst(%dma_wait3A_31 : memref<65536xf32, #tpu.memory_space<hbm>>)
      tpu.yield
    }) : () -> ()
    return
  }
}

module attributes {stable_mosaic.version = 14 : i64} {
  func.func @_tc_body(%arg0: i32, %arg1: i32, %arg2: memref<2x65536xf32, #tpu.memory_space<vmem>>, %arg3: memref<1x3x16384xf32, #tpu.memory_space<vmem>>, %arg4: memref<1x3x16384xf32, #tpu.memory_space<vmem>>, %arg5: memref<1x3x16384xf32, #tpu.memory_space<vmem>>, %arg6: memref<1x3x16384xf32, #tpu.memory_space<vmem>>, %arg7: memref<1x128xf32, #tpu.memory_space<vmem>>, %arg8: memref<10x3x65536xf32, #tpu.memory_space<vmem>>, %arg9: memref<3x65536xf32, #tpu.memory_space<vmem>>) attributes {dimension_semantics = [#tpu.dimension_semantics<arbitrary>, #tpu.dimension_semantics<arbitrary>], iteration_bounds = array<i64: 16, 10>, scalar_prefetch = 0 : i64, scratch_operands = 2 : i64, tpu.core_type = #tpu.core_type<tc>, window_params = [{transform_indices = @transform_0, window_bounds = array<i64: 2, 65536>}, {transform_indices = @transform_1, window_bounds = array<i64: 1, 3, 16384>}, {transform_indices = @transform_2, window_bounds = array<i64: 1, 3, 16384>}, {transform_indices = @transform_3, window_bounds = array<i64: 1, 3, 16384>}, {transform_indices = @transform_4, window_bounds = array<i64: 1, 3, 16384>}, {pipeline_mode = #tpu.pipeline_mode<synchronous>, transform_indices = @transform_5, window_bounds = array<i64: 1, 128>}]} {
    %eq3A = arith.constant 0 : i32
    %eq3A_0 = arith.cmpi eq, %arg1, %eq3A : i32
    %convert_element_type3A = arith.extui %eq3A_0 : i1 to i32
    %cond3A = arith.constant 0 : i32
    %cond3A_1 = arith.cmpi ne, %convert_element_type3A, %cond3A : i32
    scf.if %cond3A_1 {
      %get3A = arith.constant 0 : index
      %get3A_16 = arith.constant 0 : index
      %get3A_17 = vector.load %arg2[%get3A, %get3A_16] : memref<2x65536xf32, #tpu.memory_space<vmem>>, vector<1x65536xf32>
      %get3A_18 = arith.constant 1 : index
      %get3A_19 = arith.constant 0 : index
      %get3A_20 = vector.load %arg2[%get3A_18, %get3A_19] : memref<2x65536xf32, #tpu.memory_space<vmem>>, vector<1x65536xf32>
      %add3A = arith.addf %get3A_17, %get3A_20 : vector<1x65536xf32>
      %broadcast_in_dim3A = vector.shape_cast %add3A : vector<1x65536xf32> to vector<1x65536xf32>
      %broadcast_in_dim3A_21 = vector.broadcast %broadcast_in_dim3A : vector<1x65536xf32> to vector<3x65536xf32>
      %swap3A = arith.constant 0 : index
      %swap3A_22 = arith.constant 0 : index
      %swap3A_23 = vector.load %arg9[%swap3A, %swap3A_22] : memref<3x65536xf32, #tpu.memory_space<vmem>>, vector<3x65536xf32>
      tpu.vector_store %arg9[%swap3A, %swap3A_22], %broadcast_in_dim3A_21 {strides = array<i32>} : memref<3x65536xf32, #tpu.memory_space<vmem>>, vector<3x65536xf32>,
    } else {
    }
    %eq3A_2 = arith.constant 0 : i32
    %eq3A_3 = arith.cmpi eq, %arg0, %eq3A_2 : i32
    %convert_element_type3A_4 = arith.extui %eq3A_3 : i1 to i32
    %cond3A_5 = arith.constant 0 : i32
    %cond3A_6 = arith.cmpi ne, %convert_element_type3A_4, %cond3A_5 : i32
    scf.if %cond3A_6 {
      %get3A = arith.constant 0 : index
      %get3A_16 = arith.constant 0 : index
      %get3A_17 = arith.constant 0 : index
      %get3A_18 = vector.load %arg3[%get3A, %get3A_16, %get3A_17] : memref<1x3x16384xf32, #tpu.memory_space<vmem>>, vector<1x3x16384xf32>
      %get3A_19 = vector.shape_cast %get3A_18 : vector<1x3x16384xf32> to vector<3x16384xf32>
      %get3A_20 = arith.constant 0 : index
      %get3A_21 = arith.constant 0 : index
      %get3A_22 = vector.load %arg9[%get3A_20, %get3A_21] : memref<3x65536xf32, #tpu.memory_space<vmem>>, vector<3x16384xf32>
      %mul3A = arith.mulf %get3A_19, %get3A_22 : vector<3x16384xf32>
      %swap3A = arith.index_cast %arg1 : i32 to index
      %swap3A_23 = arith.constant 0 : index
      %swap3A_24 = arith.constant 0 : index
      %swap3A_25 = vector.load %arg8[%swap3A, %swap3A_23, %swap3A_24] : memref<10x3x65536xf32, #tpu.memory_space<vmem>>, vector<1x3x16384xf32>
      %swap3A_26 = vector.shape_cast %swap3A_25 : vector<1x3x16384xf32> to vector<3x16384xf32>
      %swap3A_27 = vector.shape_cast %mul3A : vector<3x16384xf32> to vector<1x3x16384xf32>
      tpu.vector_store %arg8[%swap3A, %swap3A_23, %swap3A_24], %swap3A_27 {strides = array<i32>} : memref<10x3x65536xf32, #tpu.memory_space<vmem>>, vector<1x3x16384xf32>,
      %get3A_28 = arith.constant 0 : index
      %get3A_29 = arith.constant 0 : index
      %get3A_30 = arith.constant 0 : index
      %get3A_31 = vector.load %arg4[%get3A_28, %get3A_29, %get3A_30] : memref<1x3x16384xf32, #tpu.memory_space<vmem>>, vector<1x3x16384xf32>
      %get3A_32 = vector.shape_cast %get3A_31 : vector<1x3x16384xf32> to vector<3x16384xf32>
      %get3A_33 = arith.constant 0 : index
      %get3A_34 = arith.constant 16384 : index
      %get3A_35 = vector.load %arg9[%get3A_33, %get3A_34] : memref<3x65536xf32, #tpu.memory_space<vmem>>, vector<3x16384xf32>
      %mul3A_36 = arith.mulf %get3A_32, %get3A_35 : vector<3x16384xf32>
      %swap3A_37 = arith.index_cast %arg1 : i32 to index
      %swap3A_38 = arith.constant 0 : index
      %swap3A_39 = arith.constant 16384 : index
      %swap3A_40 = vector.load %arg8[%swap3A_37, %swap3A_38, %swap3A_39] : memref<10x3x65536xf32, #tpu.memory_space<vmem>>, vector<1x3x16384xf32>
      %swap3A_41 = vector.shape_cast %swap3A_40 : vector<1x3x16384xf32> to vector<3x16384xf32>
      %swap3A_42 = vector.shape_cast %mul3A_36 : vector<3x16384xf32> to vector<1x3x16384xf32>
      tpu.vector_store %arg8[%swap3A_37, %swap3A_38, %swap3A_39], %swap3A_42 {strides = array<i32>} : memref<10x3x65536xf32, #tpu.memory_space<vmem>>, vector<1x3x16384xf32>,
      %get3A_43 = arith.constant 0 : index
      %get3A_44 = arith.constant 0 : index
      %get3A_45 = arith.constant 0 : index
      %get3A_46 = vector.load %arg5[%get3A_43, %get3A_44, %get3A_45] : memref<1x3x16384xf32, #tpu.memory_space<vmem>>, vector<1x3x16384xf32>
      %get3A_47 = vector.shape_cast %get3A_46 : vector<1x3x16384xf32> to vector<3x16384xf32>
      %get3A_48 = arith.constant 0 : index
      %get3A_49 = arith.constant 32768 : index
      %get3A_50 = vector.load %arg9[%get3A_48, %get3A_49] : memref<3x65536xf32, #tpu.memory_space<vmem>>, vector<3x16384xf32>
      %mul3A_51 = arith.mulf %get3A_47, %get3A_50 : vector<3x16384xf32>
      %swap3A_52 = arith.index_cast %arg1 : i32 to index
      %swap3A_53 = arith.constant 0 : index
      %swap3A_54 = arith.constant 32768 : index
      %swap3A_55 = vector.load %arg8[%swap3A_52, %swap3A_53, %swap3A_54] : memref<10x3x65536xf32, #tpu.memory_space<vmem>>, vector<1x3x16384xf32>
      %swap3A_56 = vector.shape_cast %swap3A_55 : vector<1x3x16384xf32> to vector<3x16384xf32>
      %swap3A_57 = vector.shape_cast %mul3A_51 : vector<3x16384xf32> to vector<1x3x16384xf32>
      tpu.vector_store %arg8[%swap3A_52, %swap3A_53, %swap3A_54], %swap3A_57 {strides = array<i32>} : memref<10x3x65536xf32, #tpu.memory_space<vmem>>, vector<1x3x16384xf32>,
      %get3A_58 = arith.constant 0 : index
      %get3A_59 = arith.constant 0 : index
      %get3A_60 = arith.constant 0 : index
      %get3A_61 = vector.load %arg6[%get3A_58, %get3A_59, %get3A_60] : memref<1x3x16384xf32, #tpu.memory_space<vmem>>, vector<1x3x16384xf32>
      %get3A_62 = vector.shape_cast %get3A_61 : vector<1x3x16384xf32> to vector<3x16384xf32>
      %get3A_63 = arith.constant 0 : index
      %get3A_64 = arith.constant 49152 : index
      %get3A_65 = vector.load %arg9[%get3A_63, %get3A_64] : memref<3x65536xf32, #tpu.memory_space<vmem>>, vector<3x16384xf32>
      %mul3A_66 = arith.mulf %get3A_62, %get3A_65 : vector<3x16384xf32>
      %swap3A_67 = arith.index_cast %arg1 : i32 to index
      %swap3A_68 = arith.constant 0 : index
      %swap3A_69 = arith.constant 49152 : index
      %swap3A_70 = vector.load %arg8[%swap3A_67, %swap3A_68, %swap3A_69] : memref<10x3x65536xf32, #tpu.memory_space<vmem>>, vector<1x3x16384xf32>
      %swap3A_71 = vector.shape_cast %swap3A_70 : vector<1x3x16384xf32> to vector<3x16384xf32>
      %swap3A_72 = vector.shape_cast %mul3A_66 : vector<3x16384xf32> to vector<1x3x16384xf32>
      tpu.vector_store %arg8[%swap3A_67, %swap3A_68, %swap3A_69], %swap3A_72 {strides = array<i32>} : memref<10x3x65536xf32, #tpu.memory_space<vmem>>, vector<1x3x16384xf32>,
    } else {
    }
    %gt3A = arith.constant 0 : i32
    %gt3A_7 = arith.cmpi sgt, %arg0, %gt3A : i32
    %convert_element_type3A_8 = arith.extui %gt3A_7 : i1 to i32
    %cond3A_9 = arith.constant 0 : i32
    %cond3A_10 = arith.cmpi ne, %convert_element_type3A_8, %cond3A_9 : i32
    scf.if %cond3A_10 {
      %get3A = arith.index_cast %arg1 : i32 to index
      %get3A_16 = arith.constant 0 : index
      %get3A_17 = arith.constant 0 : index
      %get3A_18 = vector.load %arg8[%get3A, %get3A_16, %get3A_17] : memref<10x3x65536xf32, #tpu.memory_space<vmem>>, vector<1x3x16384xf32>
      %get3A_19 = vector.shape_cast %get3A_18 : vector<1x3x16384xf32> to vector<3x16384xf32>
      %get3A_20 = arith.constant 0 : index
      %get3A_21 = arith.constant 0 : index
      %get3A_22 = arith.constant 0 : index
      %get3A_23 = vector.load %arg3[%get3A_20, %get3A_21, %get3A_22] : memref<1x3x16384xf32, #tpu.memory_space<vmem>>, vector<1x3x16384xf32>
      %get3A_24 = vector.shape_cast %get3A_23 : vector<1x3x16384xf32> to vector<3x16384xf32>
      %get3A_25 = arith.constant 0 : index
      %get3A_26 = arith.constant 0 : index
      %get3A_27 = vector.load %arg9[%get3A_25, %get3A_26] : memref<3x65536xf32, #tpu.memory_space<vmem>>, vector<3x16384xf32>
      %mul3A = arith.mulf %get3A_24, %get3A_27 : vector<3x16384xf32>
      %add3A = arith.addf %get3A_19, %mul3A : vector<3x16384xf32>
      %swap3A = arith.index_cast %arg1 : i32 to index
      %swap3A_28 = arith.constant 0 : index
      %swap3A_29 = arith.constant 0 : index
      %swap3A_30 = vector.load %arg8[%swap3A, %swap3A_28, %swap3A_29] : memref<10x3x65536xf32, #tpu.memory_space<vmem>>, vector<1x3x16384xf32>
      %swap3A_31 = vector.shape_cast %swap3A_30 : vector<1x3x16384xf32> to vector<3x16384xf32>
      %swap3A_32 = vector.shape_cast %add3A : vector<3x16384xf32> to vector<1x3x16384xf32>
      tpu.vector_store %arg8[%swap3A, %swap3A_28, %swap3A_29], %swap3A_32 {strides = array<i32>} : memref<10x3x65536xf32, #tpu.memory_space<vmem>>, vector<1x3x16384xf32>,
      %get3A_33 = arith.index_cast %arg1 : i32 to index
      %get3A_34 = arith.constant 0 : index
      %get3A_35 = arith.constant 16384 : index
      %get3A_36 = vector.load %arg8[%get3A_33, %get3A_34, %get3A_35] : memref<10x3x65536xf32, #tpu.memory_space<vmem>>, vector<1x3x16384xf32>
      %get3A_37 = vector.shape_cast %get3A_36 : vector<1x3x16384xf32> to vector<3x16384xf32>
      %get3A_38 = arith.constant 0 : index
      %get3A_39 = arith.constant 0 : index
      %get3A_40 = arith.constant 0 : index
      %get3A_41 = vector.load %arg4[%get3A_38, %get3A_39, %get3A_40] : memref<1x3x16384xf32, #tpu.memory_space<vmem>>, vector<1x3x16384xf32>
      %get3A_42 = vector.shape_cast %get3A_41 : vector<1x3x16384xf32> to vector<3x16384xf32>
      %get3A_43 = arith.constant 0 : index
      %get3A_44 = arith.constant 16384 : index
      %get3A_45 = vector.load %arg9[%get3A_43, %get3A_44] : memref<3x65536xf32, #tpu.memory_space<vmem>>, vector<3x16384xf32>
      %mul3A_46 = arith.mulf %get3A_42, %get3A_45 : vector<3x16384xf32>
      %add3A_47 = arith.addf %get3A_37, %mul3A_46 : vector<3x16384xf32>
      %swap3A_48 = arith.index_cast %arg1 : i32 to index
      %swap3A_49 = arith.constant 0 : index
      %swap3A_50 = arith.constant 16384 : index
      %swap3A_51 = vector.load %arg8[%swap3A_48, %swap3A_49, %swap3A_50] : memref<10x3x65536xf32, #tpu.memory_space<vmem>>, vector<1x3x16384xf32>
      %swap3A_52 = vector.shape_cast %swap3A_51 : vector<1x3x16384xf32> to vector<3x16384xf32>
      %swap3A_53 = vector.shape_cast %add3A_47 : vector<3x16384xf32> to vector<1x3x16384xf32>
      tpu.vector_store %arg8[%swap3A_48, %swap3A_49, %swap3A_50], %swap3A_53 {strides = array<i32>} : memref<10x3x65536xf32, #tpu.memory_space<vmem>>, vector<1x3x16384xf32>,
      %get3A_54 = arith.index_cast %arg1 : i32 to index
      %get3A_55 = arith.constant 0 : index
      %get3A_56 = arith.constant 32768 : index
      %get3A_57 = vector.load %arg8[%get3A_54, %get3A_55, %get3A_56] : memref<10x3x65536xf32, #tpu.memory_space<vmem>>, vector<1x3x16384xf32>
      %get3A_58 = vector.shape_cast %get3A_57 : vector<1x3x16384xf32> to vector<3x16384xf32>
      %get3A_59 = arith.constant 0 : index
      %get3A_60 = arith.constant 0 : index
      %get3A_61 = arith.constant 0 : index
      %get3A_62 = vector.load %arg5[%get3A_59, %get3A_60, %get3A_61] : memref<1x3x16384xf32, #tpu.memory_space<vmem>>, vector<1x3x16384xf32>
      %get3A_63 = vector.shape_cast %get3A_62 : vector<1x3x16384xf32> to vector<3x16384xf32>
      %get3A_64 = arith.constant 0 : index
      %get3A_65 = arith.constant 32768 : index
      %get3A_66 = vector.load %arg9[%get3A_64, %get3A_65] : memref<3x65536xf32, #tpu.memory_space<vmem>>, vector<3x16384xf32>
      %mul3A_67 = arith.mulf %get3A_63, %get3A_66 : vector<3x16384xf32>
      %add3A_68 = arith.addf %get3A_58, %mul3A_67 : vector<3x16384xf32>
      %swap3A_69 = arith.index_cast %arg1 : i32 to index
      %swap3A_70 = arith.constant 0 : index
      %swap3A_71 = arith.constant 32768 : index
      %swap3A_72 = vector.load %arg8[%swap3A_69, %swap3A_70, %swap3A_71] : memref<10x3x65536xf32, #tpu.memory_space<vmem>>, vector<1x3x16384xf32>
      %swap3A_73 = vector.shape_cast %swap3A_72 : vector<1x3x16384xf32> to vector<3x16384xf32>
      %swap3A_74 = vector.shape_cast %add3A_68 : vector<3x16384xf32> to vector<1x3x16384xf32>
      tpu.vector_store %arg8[%swap3A_69, %swap3A_70, %swap3A_71], %swap3A_74 {strides = array<i32>} : memref<10x3x65536xf32, #tpu.memory_space<vmem>>, vector<1x3x16384xf32>,
      %get3A_75 = arith.index_cast %arg1 : i32 to index
      %get3A_76 = arith.constant 0 : index
      %get3A_77 = arith.constant 49152 : index
      %get3A_78 = vector.load %arg8[%get3A_75, %get3A_76, %get3A_77] : memref<10x3x65536xf32, #tpu.memory_space<vmem>>, vector<1x3x16384xf32>
      %get3A_79 = vector.shape_cast %get3A_78 : vector<1x3x16384xf32> to vector<3x16384xf32>
      %get3A_80 = arith.constant 0 : index
      %get3A_81 = arith.constant 0 : index
      %get3A_82 = arith.constant 0 : index
      %get3A_83 = vector.load %arg6[%get3A_80, %get3A_81, %get3A_82] : memref<1x3x16384xf32, #tpu.memory_space<vmem>>, vector<1x3x16384xf32>
      %get3A_84 = vector.shape_cast %get3A_83 : vector<1x3x16384xf32> to vector<3x16384xf32>
      %get3A_85 = arith.constant 0 : index
      %get3A_86 = arith.constant 49152 : index
      %get3A_87 = vector.load %arg9[%get3A_85, %get3A_86] : memref<3x65536xf32, #tpu.memory_space<vmem>>, vector<3x16384xf32>
      %mul3A_88 = arith.mulf %get3A_84, %get3A_87 : vector<3x16384xf32>
      %add3A_89 = arith.addf %get3A_79, %mul3A_88 : vector<3x16384xf32>
      %swap3A_90 = arith.index_cast %arg1 : i32 to index
      %swap3A_91 = arith.constant 0 : index
      %swap3A_92 = arith.constant 49152 : index
      %swap3A_93 = vector.load %arg8[%swap3A_90, %swap3A_91, %swap3A_92] : memref<10x3x65536xf32, #tpu.memory_space<vmem>>, vector<1x3x16384xf32>
      %swap3A_94 = vector.shape_cast %swap3A_93 : vector<1x3x16384xf32> to vector<3x16384xf32>
      %swap3A_95 = vector.shape_cast %add3A_89 : vector<3x16384xf32> to vector<1x3x16384xf32>
      tpu.vector_store %arg8[%swap3A_90, %swap3A_91, %swap3A_92], %swap3A_95 {strides = array<i32>} : memref<10x3x65536xf32, #tpu.memory_space<vmem>>, vector<1x3x16384xf32>,
    } else {
    }
    %eq3A_11 = arith.constant 15 : i32
    %eq3A_12 = arith.cmpi eq, %arg0, %eq3A_11 : i32
    %convert_element_type3A_13 = arith.extui %eq3A_12 : i1 to i32
    %cond3A_14 = arith.constant 0 : i32
    %cond3A_15 = arith.cmpi ne, %convert_element_type3A_13, %cond3A_14 : i32
    scf.if %cond3A_15 {
      %eq3A_16 = arith.constant 0 : i32
      %eq3A_17 = arith.cmpi eq, %arg1, %eq3A_16 : i32
      %convert_element_type3A_18 = arith.extui %eq3A_17 : i1 to i32
      %cond3A_19 = arith.constant 0 : i32
      %cond3A_20 = arith.cmpi ne, %convert_element_type3A_18, %cond3A_19 : i32
      scf.if %cond3A_20 {
        %broadcast_in_dim3A_115 = arith.constant 0.000000e+00 : f32
        %broadcast_in_dim3A_116 = vector.broadcast %broadcast_in_dim3A_115 : f32 to vector<1x128xf32>
        %swap3A_117 = arith.constant 0 : index
        %swap3A_118 = arith.constant 0 : index
        %swap3A_119 = vector.load %arg7[%swap3A_117, %swap3A_118] : memref<1x128xf32, #tpu.memory_space<vmem>>, vector<1x128xf32>
        tpu.vector_store %arg7[%swap3A_117, %swap3A_118], %broadcast_in_dim3A_116 {strides = array<i32>} : memref<1x128xf32, #tpu.memory_space<vmem>>, vector<1x128xf32>,
      } else {
      }
      %get3A = arith.index_cast %arg1 : i32 to index
      %get3A_21 = arith.constant 0 : index
      %get3A_22 = arith.constant 0 : index
      %get3A_23 = vector.load %arg8[%get3A, %get3A_21, %get3A_22] : memref<10x3x65536xf32, #tpu.memory_space<vmem>>, vector<1x3x65536xf32>
      %get3A_24 = vector.shape_cast %get3A_23 : vector<1x3x65536xf32> to vector<3x65536xf32>
      %reduce_sum3A = arith.constant dense<0.000000e+00> : vector<3xf32>
      %reduce_sum3A_25 = vector.multi_reduction <add>, %get3A_24, %reduce_sum3A [1] : vector<3x65536xf32> to vector<3xf32>
      %iota3A = tpu.iota {dimensions = array<i32: 1>} : vector<1x128xi32>
      %broadcast_in_dim3A = arith.constant 0.000000e+00 : f32
      %broadcast_in_dim3A_26 = vector.broadcast %broadcast_in_dim3A : f32 to vector<1x128xf32>
      %lt3A = arith.constant 5 : i32
      %lt3A_27 = arith.cmpi slt, %arg1, %lt3A : i32
      %mul3A = arith.constant 3 : i32
      %mul3A_28 = arith.muli %mul3A, %arg1 : i32
      %add3A = arith.constant 0 : i32
      %add3A_29 = arith.addi %mul3A_28, %add3A : i32
      %eq3A_30 = arith.constant 5 : i32
      %eq3A_31 = arith.cmpi eq, %arg1, %eq3A_30 : i32
      %eq3A_32 = arith.constant 6 : i32
      %eq3A_33 = arith.cmpi eq, %arg1, %eq3A_32 : i32
      %mul3A_34 = arith.constant 3 : i32
      %mul3A_35 = arith.muli %mul3A_34, %arg1 : i32
      %sub3A = arith.constant 4 : i32
      %sub3A_36 = arith.subi %mul3A_35, %sub3A : i32
      %add3A_37 = arith.constant 0 : i32
      %add3A_38 = arith.addi %sub3A_36, %add3A_37 : i32
      %jit3A = arith.constant 16 : i32
      %select_n3A = arith.select %eq3A_33, %jit3A, %add3A_38 : i32
      %jit3A_39 = arith.constant 15 : i32
      %select_n3A_40 = arith.select %eq3A_31, %jit3A_39, %select_n3A : i32
      %select_n3A_41 = arith.select %lt3A_27, %add3A_29, %select_n3A_40 : i32
      %eq3A_42 = vector.broadcast %select_n3A_41 : i32 to vector<1x128xi32>
      %eq3A_43 = arith.cmpi eq, %iota3A, %eq3A_42 : vector<1x128xi32>
      %slice3A = vector.extract_strided_slice %reduce_sum3A_25 {offsets = [0], sizes = [1], strides = [1]} : vector<3xf32> to vector<1xf32>
      %squeeze3A = vector.extract %slice3A[0] : f32 from vector<1xf32>
      %jit3A_44 = arith.constant 0.000000e+00 : f32
      %broadcast_in_dim3A_45 = vector.broadcast %squeeze3A : f32 to vector<1x128xf32>
      %broadcast_in_dim3A_46 = vector.broadcast %jit3A_44 : f32 to vector<1x128xf32>
      %select_n3A_47 = arith.select %eq3A_43, %broadcast_in_dim3A_45, %broadcast_in_dim3A_46 : vector<1x128xi1>, vector<1x128xf32>
      %add3A_48 = arith.addf %broadcast_in_dim3A_26, %select_n3A_47 : vector<1x128xf32>
      %lt3A_49 = arith.constant 5 : i32
      %lt3A_50 = arith.cmpi slt, %arg1, %lt3A_49 : i32
      %mul3A_51 = arith.constant 3 : i32
      %mul3A_52 = arith.muli %mul3A_51, %arg1 : i32
      %add3A_53 = arith.constant 1 : i32
      %add3A_54 = arith.addi %mul3A_52, %add3A_53 : i32
      %eq3A_55 = arith.constant 5 : i32
      %eq3A_56 = arith.cmpi eq, %arg1, %eq3A_55 : i32
      %eq3A_57 = arith.constant 6 : i32
      %eq3A_58 = arith.cmpi eq, %arg1, %eq3A_57 : i32
      %mul3A_59 = arith.constant 3 : i32
      %mul3A_60 = arith.muli %mul3A_59, %arg1 : i32
      %sub3A_61 = arith.constant 4 : i32
      %sub3A_62 = arith.subi %mul3A_60, %sub3A_61 : i32
      %add3A_63 = arith.constant 1 : i32
      %add3A_64 = arith.addi %sub3A_62, %add3A_63 : i32
      %jit3A_65 = arith.constant 16 : i32
      %select_n3A_66 = arith.select %eq3A_58, %jit3A_65, %add3A_64 : i32
      %jit3A_67 = arith.constant 15 : i32
      %select_n3A_68 = arith.select %eq3A_56, %jit3A_67, %select_n3A_66 : i32
      %select_n3A_69 = arith.select %lt3A_50, %add3A_54, %select_n3A_68 : i32
      %eq3A_70 = vector.broadcast %select_n3A_69 : i32 to vector<1x128xi32>
      %eq3A_71 = arith.cmpi eq, %iota3A, %eq3A_70 : vector<1x128xi32>
      %slice3A_72 = vector.extract_strided_slice %reduce_sum3A_25 {offsets = [1], sizes = [1], strides = [1]} : vector<3xf32> to vector<1xf32>
      %squeeze3A_73 = vector.extract %slice3A_72[0] : f32 from vector<1xf32>
      %jit3A_74 = arith.constant 0.000000e+00 : f32
      %broadcast_in_dim3A_75 = vector.broadcast %squeeze3A_73 : f32 to vector<1x128xf32>
      %broadcast_in_dim3A_76 = vector.broadcast %jit3A_74 : f32 to vector<1x128xf32>
      %select_n3A_77 = arith.select %eq3A_71, %broadcast_in_dim3A_75, %broadcast_in_dim3A_76 : vector<1x128xi1>, vector<1x128xf32>
      %add3A_78 = arith.addf %add3A_48, %select_n3A_77 : vector<1x128xf32>
      %lt3A_79 = arith.constant 5 : i32
      %lt3A_80 = arith.cmpi slt, %arg1, %lt3A_79 : i32
      %mul3A_81 = arith.constant 3 : i32
      %mul3A_82 = arith.muli %mul3A_81, %arg1 : i32
      %add3A_83 = arith.constant 2 : i32
      %add3A_84 = arith.addi %mul3A_82, %add3A_83 : i32
      %eq3A_85 = arith.constant 5 : i32
      %eq3A_86 = arith.cmpi eq, %arg1, %eq3A_85 : i32
      %eq3A_87 = arith.constant 6 : i32
      %eq3A_88 = arith.cmpi eq, %arg1, %eq3A_87 : i32
      %mul3A_89 = arith.constant 3 : i32
      %mul3A_90 = arith.muli %mul3A_89, %arg1 : i32
      %sub3A_91 = arith.constant 4 : i32
      %sub3A_92 = arith.subi %mul3A_90, %sub3A_91 : i32
      %add3A_93 = arith.constant 2 : i32
      %add3A_94 = arith.addi %sub3A_92, %add3A_93 : i32
      %jit3A_95 = arith.constant 16 : i32
      %select_n3A_96 = arith.select %eq3A_88, %jit3A_95, %add3A_94 : i32
      %jit3A_97 = arith.constant 15 : i32
      %select_n3A_98 = arith.select %eq3A_86, %jit3A_97, %select_n3A_96 : i32
      %select_n3A_99 = arith.select %lt3A_80, %add3A_84, %select_n3A_98 : i32
      %eq3A_100 = vector.broadcast %select_n3A_99 : i32 to vector<1x128xi32>
      %eq3A_101 = arith.cmpi eq, %iota3A, %eq3A_100 : vector<1x128xi32>
      %slice3A_102 = vector.extract_strided_slice %reduce_sum3A_25 {offsets = [2], sizes = [1], strides = [1]} : vector<3xf32> to vector<1xf32>
      %squeeze3A_103 = vector.extract %slice3A_102[0] : f32 from vector<1xf32>
      %jit3A_104 = arith.constant 0.000000e+00 : f32
      %broadcast_in_dim3A_105 = vector.broadcast %squeeze3A_103 : f32 to vector<1x128xf32>
      %broadcast_in_dim3A_106 = vector.broadcast %jit3A_104 : f32 to vector<1x128xf32>
      %select_n3A_107 = arith.select %eq3A_101, %broadcast_in_dim3A_105, %broadcast_in_dim3A_106 : vector<1x128xi1>, vector<1x128xf32>
      %add3A_108 = arith.addf %add3A_78, %select_n3A_107 : vector<1x128xf32>
      %get3A_109 = arith.constant 0 : index
      %get3A_110 = arith.constant 0 : index
      %get3A_111 = vector.load %arg7[%get3A_109, %get3A_110] : memref<1x128xf32, #tpu.memory_space<vmem>>, vector<1x128xf32>
      %add3A_112 = arith.addf %get3A_111, %add3A_108 : vector<1x128xf32>
      %swap3A = arith.constant 0 : index
      %swap3A_113 = arith.constant 0 : index
      %swap3A_114 = vector.load %arg7[%swap3A, %swap3A_113] : memref<1x128xf32, #tpu.memory_space<vmem>>, vector<1x128xf32>
      tpu.vector_store %arg7[%swap3A, %swap3A_113], %add3A_112 {strides = array<i32>} : memref<1x128xf32, #tpu.memory_space<vmem>>, vector<1x128xf32>,
    } else {
    }
    return
  }
  func.func @transform_0(%arg0: i32, %arg1: i32) -> (i32, i32) {
    %c0_i32 = arith.constant 0 : i32
    %c0_i32_0 = arith.constant 0 : i32
    return %c0_i32, %arg0 : i32, i32
  }
  func.func @transform_1(%arg0: i32, %arg1: i32) -> (i32, i32, i32) {
    %mul3A = arith.constant 4 : i32
    %mul3A_0 = arith.muli %mul3A, %arg0 : i32
    %min3A = arith.constant 61 : i32
    %min3A_1 = arith.minsi %mul3A_0, %min3A : i32
    %c0_i32 = arith.constant 0 : i32
    %c0_i32_2 = arith.constant 0 : i32
    return %arg1, %c0_i32, %min3A_1 : i32, i32, i32
  }
  func.func @transform_2(%arg0: i32, %arg1: i32) -> (i32, i32, i32) {
    %mul3A = arith.constant 4 : i32
    %mul3A_0 = arith.muli %mul3A, %arg0 : i32
    %add3A = arith.constant 1 : i32
    %add3A_1 = arith.addi %mul3A_0, %add3A : i32
    %min3A = arith.constant 61 : i32
    %min3A_2 = arith.minsi %add3A_1, %min3A : i32
    %c0_i32 = arith.constant 0 : i32
    %c0_i32_3 = arith.constant 0 : i32
    return %arg1, %c0_i32, %min3A_2 : i32, i32, i32
  }
  func.func @transform_3(%arg0: i32, %arg1: i32) -> (i32, i32, i32) {
    %mul3A = arith.constant 4 : i32
    %mul3A_0 = arith.muli %mul3A, %arg0 : i32
    %add3A = arith.constant 2 : i32
    %add3A_1 = arith.addi %mul3A_0, %add3A : i32
    %min3A = arith.constant 61 : i32
    %min3A_2 = arith.minsi %add3A_1, %min3A : i32
    %c0_i32 = arith.constant 0 : i32
    %c0_i32_3 = arith.constant 0 : i32
    return %arg1, %c0_i32, %min3A_2 : i32, i32, i32
  }
  func.func @transform_4(%arg0: i32, %arg1: i32) -> (i32, i32, i32) {
    %mul3A = arith.constant 4 : i32
    %mul3A_0 = arith.muli %mul3A, %arg0 : i32
    %add3A = arith.constant 3 : i32
    %add3A_1 = arith.addi %mul3A_0, %add3A : i32
    %min3A = arith.constant 61 : i32
    %min3A_2 = arith.minsi %add3A_1, %min3A : i32
    %c0_i32 = arith.constant 0 : i32
    %c0_i32_3 = arith.constant 0 : i32
    return %arg1, %c0_i32, %min3A_2 : i32, i32, i32
  }
  func.func @transform_5(%arg0: i32, %arg1: i32) -> (i32, i32) {
    %c0_i32 = arith.constant 0 : i32
    %c0_i32_0 = arith.constant 0 : i32
    %c0_i32_1 = arith.constant 0 : i32
    return %c0_i32, %c0_i32_0 : i32, i32
  }
}

</mosaic_0001>

<sc_bundles>
// kernel: kernel.4.cloned.1.call-start
scs
__scs_entry_jumppad:
0x0: {  	(pc) =	sbr.rel $0x88, $3  }
0x1: {  	(tag) =	ssettag $0x0;
	lr =	simm.s32 $0x1  }
0x2: {  	[smem:$0x3F9F] =	sst lr;
	_ =	strace $0xD0000000  }
0x3: {  	_ = 	snop  }
0x4: {  	_ = 	snop  }
0x5: {  	_ = 	snop  }
0x6: {  	_ = 	snop  }
0x7: {  	_ = 	snop  }
__scs_overlays_trampoline_lowered:
0x8: {  	[smem:$0x3FAE] =	sst s0  }
0x9: {  	[smem:$0x3FAF] =	sst s1  }
0xa: {  	[smem:$0x3FB0] =	sst s2  }
0xb: {  	[smem:$0x3FB1] =	sst s3  }
0xc: {  	[smem:$0x3FB2] =	sst s4  }
0xd: {  	[smem:$0x3FB3] =	sst s5  }
0xe: {  	[smem:$0x3FB4] =	sst s6  }
0xf: {  	[smem:$0x3FB5] =	sst s7  }
0x10: {  	[smem:$0x3FB6] =	sst s8  }
0x11: {  	[smem:$0x3FB7] =	sst s9;
	s0 =	simm.s32 @!p0 $0x0  }
0x12: {  	s1 =	sld [smem:$0x3F9D];
	s0 =	simm.s32 @p0 $0x1  }
0x13: {  	[smem:$0x3FB8] =	sst s0;
	s0 =	simm.s32 @!p1 $0x0  }
0x14: {  	s2 =	sld [smem:$0x3F9C];
	s0 =	simm.s32 @p1 $0x1  }
0x15: {  	[smem:$0x3FB9] =	sst s0;
	s0 =	simm.s32 @!p2 $0x0  }
0x16: {  	s3 =	sld [smem:$0x3FDB];
	s0 =	simm.s32 @p2 $0x1  }
0x17: {  	s4 =	simm.s32 $0x1BF5;
	[smem:$0x3FBB] =	sst s0  }
0x18: {  	s0 =	sld [smem:$0x3F9E];
	_ =	swait.ge [sflag:s4], $0x0  }
0x19: {  	s7 =	sld [smem:$0x3F9F]  }
0x1a: {  	s8 =	sadd.s32 $0xFFFFE003, lr  }
0x1b: {  	s9 =	sadd.s32 $0xFFFFFEF7, lr;
	s5 =	simm.s32 $0xFFFFFFFF;
	p2 =	slt.u32 s8, $0xFFFFF086  }
0x1c: {  	p1 =	slt.u32 s9, $0xF7A;
	s5 =	simm.s32 @!p2 $0x0  }
0x1d: {  	s5 =	simm.s32 @p1 $0x1;
	p0 =	seq.s32 s7, s2  }
0x1e: {  	s7 =	smul.u32 @!p0 $0xF7A, s2;
	p2 =	seq.s32 @!p0 s5, $0x0  }
0x1f: {  	s9 =	smul.u32 $0xF7A, s1;
	s8 =	simm.s32 @!p0 $0x1BF5;
	p2 =	por !p2, p0  }
0x20: {  	[sflag:s8] =	ssyncset.s32 @!p0 $0xFFFFF086;
	s6 =	sadd.s32 @!p0 s3, s7;
	s7 =	simm.s32 @!p0 $0x108  }
0x21: {  	s3 =	sadd.s32 s3, s9;
	s6 =	sadd.s32 @!p0 $0x88, s6;
	s7 =	simm.s32 @p2 $0x1082  }
0x22: {  	[simem:s7], [sflag:s8] =	dma.local @!p0 [hbm:s6], $0xF7A  }
0x23: {  	s9 =	sor.u32 $0xD0000000, s2;
	s6 =	simm.s32 $0x108;
	_ =	swait.ge @!p0 [sflag:s8], $0x0  }
0x24: {  	s3 =	sadd.s32 $0x88, s3;
	s6 =	simm.s32 @!p1 $0x1082;
	[sflag:s4] =	ssyncset.s32 $0xFFFFF086  }
0x25: {  	[simem:s6], [sflag:s4] =	dma.local [hbm:s3], $0xF7A  }
0x26: {  	[smem:$0x3F9F] =	sst s1;
	(tag) =	ssettag s2;
	_ =	strace s9  }
0x27: {  	s1 =	sld [smem:$0x3FAF]  }
0x28: {  	s2 =	sld [smem:$0x3FB0]  }
0x29: {  	s4 =	sld [smem:$0x3FB2]  }
0x2a: {  	p0 =	seq.s32 s5, $0x0;
	s5 =	sld [smem:$0x3FB3]  }
0x2b: {  	s6 =	sld [smem:$0x3FB4]  }
0x2c: {  	s7 =	sld [smem:$0x3FB5]  }
0x2d: {  	s3 =	simm.s32 $0x108;
	s8 =	sld [smem:$0x3FB6]  }
0x2e: {  	s3 =	simm.s32 @!p0 $0x1082;
	s9 =	sld [smem:$0x3FB7]  }
0x2f: {  	lr =	sadd.s32 s0, s3;
	s0 =	sld [smem:$0x3FAE]  }
0x30: {  	s3 =	sld [smem:$0x3FB1]  }
0x31: {  	[smem:$0x3FBA] =	sst s10  }
0x32: {  	s10 =	sld [smem:$0x3FB8];
	_ =	sdelay $0x3  }
0x33: {  	p0 =	seq.s32 s10, $0x1;
	s10 =	sld [smem:$0x3FBA];
	_ =	sdelay $0x3  }
0x34: {  	[smem:$0x3FBA] =	sst s10  }
0x35: {  	s10 =	sld [smem:$0x3FB9];
	_ =	sdelay $0x3  }
0x36: {  	p1 =	seq.s32 s10, $0x1;
	s10 =	sld [smem:$0x3FBA];
	_ =	sdelay $0x3  }
0x37: {  	[smem:$0x3FBA] =	sst s10  }
0x38: {  	s10 =	sld [smem:$0x3FBB]  }
0x39: {  	_ = 	snop;
	(pc) =	sbr.ind lr, $3  }
0x3a: {  	_ = 	snop  }
0x3b: {  	_ = 	snop  }
0x3c: {  	p2 =	seq.s32 s10, $0x1;
	s10 =	sld [smem:$0x3FBA]  }
0x3d: {  	_ =	shalt  }
0x3e: {  	_ =	shalt  }
0x3f: {  	_ =	shalt  }
0x40: {  	_ =	shalt  }
0x41: {  	_ =	shalt  }
0x42: {  	_ =	shalt  }
0x43: {  	_ =	shalt  }
0x44: {  	_ =	shalt  }
0x45: {  	_ =	shalt  }
0x46: {  	_ =	shalt  }
0x47: {  	_ =	shalt  }
0x48: {  	_ =	shalt  }
0x49: {  	_ =	shalt  }
0x4a: {  	_ =	shalt  }
0x4b: {  	_ =	shalt  }
0x4c: {  	_ =	shalt  }
0x4d: {  	_ =	shalt  }
0x4e: {  	_ =	shalt  }
0x4f: {  	_ =	shalt  }
0x50: {  	_ =	shalt  }
0x51: {  	_ =	shalt  }
0x52: {  	_ =	shalt  }
0x53: {  	_ =	shalt  }
0x54: {  	_ =	shalt  }
0x55: {  	_ =	shalt  }
0x56: {  	_ =	shalt  }
0x57: {  	_ =	shalt  }
0x58: {  	_ =	shalt  }
0x59: {  	_ =	shalt  }
0x5a: {  	_ =	shalt  }
0x5b: {  	_ =	shalt  }
0x5c: {  	_ =	shalt  }
0x5d: {  	_ =	shalt  }
0x5e: {  	_ =	shalt  }
0x5f: {  	_ =	shalt  }
0x60: {  	_ =	shalt  }
0x61: {  	_ =	shalt  }
0x62: {  	_ =	shalt  }
0x63: {  	_ =	shalt  }
0x64: {  	_ =	shalt  }
0x65: {  	_ =	shalt  }
0x66: {  	_ =	shalt  }
0x67: {  	_ =	shalt  }
0x68: {  	_ =	shalt  }
0x69: {  	_ =	shalt  }
0x6a: {  	_ =	shalt  }
0x6b: {  	_ =	shalt  }
0x6c: {  	_ =	shalt  }
0x6d: {  	_ =	shalt  }
0x6e: {  	_ =	shalt  }
0x6f: {  	_ =	shalt  }
0x70: {  	_ =	shalt  }
0x71: {  	_ =	shalt  }
0x72: {  	_ =	shalt  }
0x73: {  	_ =	shalt  }
0x74: {  	_ =	shalt  }
0x75: {  	_ =	shalt  }
0x76: {  	_ =	shalt  }
0x77: {  	_ =	shalt  }
0x78: {  	_ =	shalt  }
0x79: {  	_ =	shalt  }
0x7a: {  	_ =	shalt  }
0x7b: {  	_ =	shalt  }
0x7c: {  	_ =	shalt  }
0x7d: {  	_ =	shalt  }
0x7e: {  	_ =	shalt  }
0x7f: {  	_ =	shalt  }
0x80: {  	_ =	shalt  }
0x81: {  	_ =	shalt  }
0x82: {  	_ =	shalt  }
0x83: {  	_ =	shalt  }
0x84: {  	_ =	shalt  }
0x85: {  	_ =	shalt  }
0x86: {  	_ =	shalt  }
0x87: {  	_ =	shalt  }
.Lfunc_end0:
.L_simem_size_0:
called_computation_lowered:
.L_overlay_start_0:
0x88: {  	s2 =	sld [smem:$0x3FD9]  }
0x89: {  	s3 =	sld [smem:$0x3FFE];
	_ =	sdelay $0x1  }
0x8a: {  	s1 =	srdreg.scid  }
0x8b: {  	s0 =	sand.u32 $0x1, s1  }
0x8c: {  	s17 =	sshll.u32 s0, $0xA;
	s2 =	sadd.s32 s3, s2  }
0x8d: {  	s2 =	sadd.s32 s2, s17  }
0x8e: {  	[smem:$0x3FC6] =	sst s2  }
0x8f: {  	_ = 	snop  }
0x90: {  	s2 =	sld [smem:$0x3FC9];
	(tm) =	ssettm $0x1  }
0x91: {  	s18 =	sld [smem:$0x3FFB];
	_ =	sdelay $0x3  }
0x92: {  	_ =	strace s18  }
0x93: {  	s3 =	sld [smem:$0x3FFC];
	_ =	sdelay $0x3  }
0x94: {  	_ =	strace s3  }
0x95: {  	s3 =	sld [smem:$0x3FFD];
	_ =	sdelay $0x3  }
0x96: {  	_ =	strace s3  }
0x97: {  	_ =	strace $0x8FFFFFFF  }
0x98: {  	s19 =	sld [smem:$0x3FDB];
	_ =	sdelay $0x1  }
0x99: {  	s4 =	simm.s32 $_scs_section_size  }
0x9a: {  	s5 =	simm.s32 $_size__tile_overlayer_lowered;
	s6 =	simm.s32 $_tile_overlayer_lowered  }
0x9b: {  	s22 =	simm.s32 $0x1BFF;
	s21 =	sshll.u32 s6, $0x1;
	s3 =	sadd.s32 s4, s19  }
0x9c: {  	s7 =	simm.s32 $0x0;
	s20 =	sshll.u32 s5, $0x1;
	s5 =	sadd.s32 s21, s3  }
0x9d: {  	[timem:s7], [sflag:s22] =	dma.local [hbm:s5], s20  }
0x9e: {  	_ =	swait.ge [sflag:s22], s20  }
0x9f: {  	s4 =	ssub.s32 $0x0, s20;
	[sflag:s22] =	ssyncset.done $0x0  }
0xa0: {  	[sflag:s22] =	ssyncadd.s32 s4;
	_ =	sdelay $0x1  }
0xa1: {  	s23 =	simm.s32 $0x1B8B  }
0xa2: {  	_ =	swait.ge [sflag:s23], $0x1  }
0xa3: {  	[sflag:s23] =	ssyncset.done $0x0  }
0xa4: {  	s25 =	simm.s32 $0x1B8E;
	s24 =	sld [smem:$0x3FFE];
	[sflag:s23] =	ssyncadd.s32 $0xFFFFFFFF  }
0xa5: {  	s26 =	simm.s32 $execute0_lowered;
	[smem:$0x3FD2] =	sst s25  }
0xa6: {  	s5 =	sshll.u32 s26, $0x1;
	_ =	strace $0x80000046;
	[dreg:$0x1] =	wrdreg $0xFFFFFFFF  }
0xa7: {  	s28 =	simm.s32 $_size_execute0_lowered;
	s3 =	sadd.s32 s3, s5;
	[dreg:$0x0] =	wrdreg $0x0  }
0xa8: {  	s5 =	sshll.u32 s28, $0x1;
	[dreg:$0x2] =	wrdreg s3  }
0xa9: {  	[dreg:$0x3] =	wrdreg s5  }
0xaa: {  	[dreg:$0x4] =	wrdreg $0xC0  }
0xab: {  	_ =	task [dreg:s7], $0x5FFFF  }
0xac: {  	[dreg:$0x1] =	wrdreg $0xFFFFFFFF  }
0xad: {  	[dreg:$0x0] =	wrdreg $0x60  }
0xae: {  	[dreg:$0x2] =	wrdreg s2  }
0xaf: {  	[dreg:$0x3] =	wrdreg s24  }
0xb0: {  	[dreg:$0x4] =	wrdreg $0x38800  }
0xb1: {  	[dreg:$0x5] =	wrdreg $0x9  }
0xb2: {  	_ =	task.clear_ibuf [dreg:s7], $0x6FFFF;
	_ =	strace $0x90000046  }
0xb3: {  	s29 =	simm.s32 $0x9;
	_ =	strace $0x80000048  }
0xb4: {  	_ =	swait.ge [sflag:s29], $0x1  }
0xb5: {  	[sflag:s29] =	ssyncadd.s32 $0xFFFFFFFF  }
0xb6: {  	_ =	strace $0x90000048  }
0xb7: {  	_ =	sfence  }
0xb8: {  	s30 =	sld [smem:$0x0];
	_ =	sdelay $0x2  }
0xb9: {  	s31 =	sshll.u32 s1, $0xD;
	s1 =	sshrl.u32 s1, $0x2  }
0xba: {  	s3 =	sand.u32 $0x4000, s31;
	s1 =	sadd.s32 s1, s30  }
0xbb: {  	s0 =	sor.u32 s3, s0;
	s1 =	sshll.u32 s1, $0x11  }
0xbc: {  	s0 =	sor.u32 s1, s0  }
0xbd: {  	s0 =	sadd.s32 $0x8F2B, s0  }
0xbe: {  	[sflag:s0] =	ssyncadd.remote.s32 $0x1  }
0xbf: {  	_ =	sfence.sel $0xFFFF  }
0xc0: {  	[dreg:$0x0] =	wrdreg $0xFFFFFFFF;
	(pc) =	sbr.abs _section_cstart, $3  }
0xc1: {  	[dreg:$0x1] =	wrdreg $0xFFFFFFFF  }
0xc2: {  	_ =	task.clear_ibuf [dreg:s7], $0x2FFFF;
	_ =	strace $0x9FFFFFFF  }
0xc3: {  	(tm) =	ssettm $0x7FFFFFFF  }
tec
execute0_lowered:
.L_overlay_start_1:
0x0: {  	(tag) =	ssettag $0x1  }
0x1: {  	s5 =	rddreg [dreg:$0x0]  }
0x2: {  	s4 =	rddreg [dreg:$0x1]  }
0x3: {  	s1 =	rddreg [dreg:$0x2]  }
0x4: {  	s0 =	rddreg [dreg:$0x3]  }
0x5: {  	s2 =	simm.s32 $0x0;
	s3 =	srdreg.scid;
	s21 =	simm.s32 $0x2880  }
0x6: {  	s26 =	simm.s32 $0x2800;
	s28 =	simm.s32 $0x20;
	s29 =	simm.s32 $0x10  }
0x7: {  	[smem:$0x7FF] =	sst s2;
	s6 =	sand.u32 $0x1, s3;
	s3 =	stileid.u32  }
0x8: {  	s7 =	sshll.u32 s6, $0x4;
	s8 =	ssub.s32 $0x2, s6;
	s6 =	smul.u32 $0x5000, s6  }
0x9: {  	_ =	strace $0x80000047;
	s9 =	sshll.u32 s3, $0x10;
	s23 =	smul.u32 $0x500, s3  }
0xa: {  	s25 =	sshll.u32 s3, $0xE;
	s7 =	sadd.s32 s7, s4;
	s31 =	sshrl.u32 s8, $0x1  }
0xb: {  	s4 =	sadd.s32 s9, s1;
	s8 =	ssub.s32 s8, s31;
	s22 =	sadd.s32 s5, s6  }
0xc: {  	s24 =	sadd.s32 $0x600, s7;
	s6 =	sadd.s32 $0x1000, s4;
	s7 =	sadd.s32 $0x2000, s4  }
0xd: {  	s9 =	sadd.s32 $0x4000, s4;
	s10 =	sadd.s32 $0x5000, s4;
	s11 =	sadd.s32 $0x6000, s4  }
0xe: {  	s12 =	sadd.s32 $0x7000, s4;
	s13 =	sadd.s32 $0x8000, s4;
	s14 =	sadd.s32 $0x9000, s4  }
0xf: {  	s15 =	sadd.s32 $0xA000, s4;
	s16 =	sadd.s32 $0xB000, s4;
	s17 =	sadd.s32 $0xC000, s4  }
0x10: {  	s18 =	sadd.s32 $0xD000, s4;
	s19 =	sadd.s32 $0xE000, s4;
	s20 =	sadd.s32 $0xF000, s4  }
0x11: {  	s5 =	smax.u32 s8, $0x1;
	s8 =	sadd.s32 $0x3000, s4;
	s22 =	sadd.s32 s23, s22  }
0x12: {  	v0 =	vimm.f32 $0.0e+00;
	v1 =	vimm.f32 $1.000000000e+00;
	s23 =	simm.s32 $0x1;
	s24 =	sadd.s32 s25, s24;
	s25 =	simm.s32 $0x80  }
.LBB2_1:
0x13: {  	s30 =	simm.s32 $0x40;
	s31 =	simm.s32 $0x0  }
.LBB2_2:
0x14: {  	p0 =	sne.s32 s30, $0x3FC0;
	[tilespmem:s31+$0x2880] =	vst v0;
	s31 =	smov.u32 s30;
	s30 =	sadd.s32 $0x40, s30  }
.Ltmp0:
0x15: {  	(pc) =	sbr.rel @p0 .LBB2_2-.Ltmp0, $2  }
0x16: {  	_ =	sdelay $0x2  }
0x17: {  	s31 =	sshra.s32 s31, $0x2  }
0x18: {  	[tilespmem:s31+$0x2880] =	vst v0  }
0x19: {  	[tilespmem:$0x2800] =	vst v1  }
0x1a: {  	[tilespmem:$0x2810] =	vst v1  }
0x1b: {  	[tilespmem:$0x2820] =	vst v1  }
0x1c: {  	[tilespmem:$0x2830] =	vst v1  }
0x1d: {  	[tilespmem:$0x2840] =	vst v1  }
0x1e: {  	[tilespmem:$0x2850] =	vst v1  }
0x1f: {  	[tilespmem:$0x2860] =	vst v1  }
0x20: {  	[tilespmem:$0x2870] =	vst v1  }
0x21: {  	[spmem:s4] =	stream.linear.scatter [tilespmem:s21], [sflag:$0x1], $0x1000, $0x38;
	[tilespmem:$0x13880] =	vst v63  }
0x22: {  	_ =	swait.ge [sflag:s23], $0x1000  }
0x23: {  	[sflag:s23] =	ssyncset.done $0x0  }
0x24: {  	[sflag:s23] =	ssyncadd.s32 $0xFFFFF000  }
0x25: {  	[spmem:s6] =	stream.linear.scatter [tilespmem:s21], [sflag:$0x1], $0x1000, $0x38;
	[tilespmem:$0x13880] =	vst v63  }
0x26: {  	_ =	swait.ge [sflag:s23], $0x1000  }
0x27: {  	[sflag:s23] =	ssyncset.done $0x0  }
0x28: {  	[sflag:s23] =	ssyncadd.s32 $0xFFFFF000  }
0x29: {  	[spmem:s7] =	stream.linear.scatter [tilespmem:s21], [sflag:$0x1], $0x1000, $0x38;
	[tilespmem:$0x13880] =	vst v63  }
0x2a: {  	_ =	swait.ge [sflag:s23], $0x1000  }
0x2b: {  	[sflag:s23] =	ssyncset.done $0x0  }
0x2c: {  	[sflag:s23] =	ssyncadd.s32 $0xFFFFF000  }
0x2d: {  	[spmem:s8] =	stream.linear.scatter [tilespmem:s21], [sflag:$0x1], $0x1000, $0x38;
	[tilespmem:$0x13880] =	vst v63  }
0x2e: {  	_ =	swait.ge [sflag:s23], $0x1000  }
0x2f: {  	[sflag:s23] =	ssyncset.done $0x0  }
0x30: {  	[sflag:s23] =	ssyncadd.s32 $0xFFFFF000  }
0x31: {  	[spmem:s9] =	stream.linear.scatter [tilespmem:s21], [sflag:$0x1], $0x1000, $0x38;
	[tilespmem:$0x13880] =	vst v63  }
0x32: {  	_ =	swait.ge [sflag:s23], $0x1000  }
0x33: {  	[sflag:s23] =	ssyncset.done $0x0  }
0x34: {  	[sflag:s23] =	ssyncadd.s32 $0xFFFFF000  }
0x35: {  	[spmem:s10] =	stream.linear.scatter [tilespmem:s21], [sflag:$0x1], $0x1000, $0x38;
	[tilespmem:$0x13880] =	vst v63  }
0x36: {  	_ =	swait.ge [sflag:s23], $0x1000  }
0x37: {  	[sflag:s23] =	ssyncset.done $0x0  }
0x38: {  	[sflag:s23] =	ssyncadd.s32 $0xFFFFF000  }
0x39: {  	[spmem:s11] =	stream.linear.scatter [tilespmem:s21], [sflag:$0x1], $0x1000, $0x38;
	[tilespmem:$0x13880] =	vst v63  }
0x3a: {  	_ =	swait.ge [sflag:s23], $0x1000  }
0x3b: {  	[sflag:s23] =	ssyncset.done $0x0  }
0x3c: {  	[sflag:s23] =	ssyncadd.s32 $0xFFFFF000  }
0x3d: {  	[spmem:s12] =	stream.linear.scatter [tilespmem:s21], [sflag:$0x1], $0x1000, $0x38;
	[tilespmem:$0x13880] =	vst v63  }
0x3e: {  	_ =	swait.ge [sflag:s23], $0x1000  }
0x3f: {  	[sflag:s23] =	ssyncset.done $0x0  }
0x40: {  	[sflag:s23] =	ssyncadd.s32 $0xFFFFF000  }
0x41: {  	[spmem:s13] =	stream.linear.scatter [tilespmem:s21], [sflag:$0x1], $0x1000, $0x38;
	[tilespmem:$0x13880] =	vst v63  }
0x42: {  	_ =	swait.ge [sflag:s23], $0x1000  }
0x43: {  	[sflag:s23] =	ssyncset.done $0x0  }
0x44: {  	[sflag:s23] =	ssyncadd.s32 $0xFFFFF000  }
0x45: {  	[spmem:s14] =	stream.linear.scatter [tilespmem:s21], [sflag:$0x1], $0x1000, $0x38;
	[tilespmem:$0x13880] =	vst v63  }
0x46: {  	_ =	swait.ge [sflag:s23], $0x1000  }
0x47: {  	[sflag:s23] =	ssyncset.done $0x0  }
0x48: {  	[sflag:s23] =	ssyncadd.s32 $0xFFFFF000  }
0x49: {  	[spmem:s15] =	stream.linear.scatter [tilespmem:s21], [sflag:$0x1], $0x1000, $0x38;
	[tilespmem:$0x13880] =	vst v63  }
0x4a: {  	_ =	swait.ge [sflag:s23], $0x1000  }
0x4b: {  	[sflag:s23] =	ssyncset.done $0x0  }
0x4c: {  	[sflag:s23] =	ssyncadd.s32 $0xFFFFF000  }
0x4d: {  	[spmem:s16] =	stream.linear.scatter [tilespmem:s21], [sflag:$0x1], $0x1000, $0x38;
	[tilespmem:$0x13880] =	vst v63  }
0x4e: {  	_ =	swait.ge [sflag:s23], $0x1000  }
0x4f: {  	[sflag:s23] =	ssyncset.done $0x0  }
0x50: {  	[sflag:s23] =	ssyncadd.s32 $0xFFFFF000  }
0x51: {  	[spmem:s17] =	stream.linear.scatter [tilespmem:s21], [sflag:$0x1], $0x1000, $0x38;
	[tilespmem:$0x13880] =	vst v63  }
0x52: {  	_ =	swait.ge [sflag:s23], $0x1000  }
0x53: {  	[sflag:s23] =	ssyncset.done $0x0  }
0x54: {  	[sflag:s23] =	ssyncadd.s32 $0xFFFFF000  }
0x55: {  	[spmem:s18] =	stream.linear.scatter [tilespmem:s21], [sflag:$0x1], $0x1000, $0x38;
	[tilespmem:$0x13880] =	vst v63  }
0x56: {  	_ =	swait.ge [sflag:s23], $0x1000  }
0x57: {  	[sflag:s23] =	ssyncset.done $0x0  }
0x58: {  	[sflag:s23] =	ssyncadd.s32 $0xFFFFF000  }
0x59: {  	[spmem:s19] =	stream.linear.scatter [tilespmem:s21], [sflag:$0x1], $0x1000, $0x38;
	[tilespmem:$0x13880] =	vst v63  }
0x5a: {  	_ =	swait.ge [sflag:s23], $0x1000  }
0x5b: {  	[sflag:s23] =	ssyncset.done $0x0  }
0x5c: {  	[sflag:s23] =	ssyncadd.s32 $0xFFFFF000  }
0x5d: {  	[spmem:s20] =	stream.linear.scatter [tilespmem:s21], [sflag:$0x1], $0x1000, $0x38;
	[tilespmem:$0x13880] =	vst v63  }
0x5e: {  	_ =	swait.ge [sflag:s23], $0x1000  }
0x5f: {  	[sflag:s23] =	ssyncset.done $0x0  }
0x60: {  	s30 =	simm.s32 $0x0;
	[sflag:s23] =	ssyncadd.s32 $0xFFFFF000  }
0x61: {  	[tilespmem:s30], [sflag:$0x1] =	stream.linear.gather [hbm4b:s22+s30], $0x2800, $0x38;
	[tilespmem:$0x13880] =	vst v63  }
0x62: {  	_ =	swait.ge [sflag:s23], $0x2800  }
0x63: {  	[sflag:s23] =	ssyncset.done $0x0  }
0x64: {  	[sflag:s23] =	ssyncadd.s32 $0xFFFFD800  }
0x65: {  	s30 =	simm.s32 $0x0;
	[bflag:$0x0] =	sbarrier.arrive $0xFFFF  }
0x66: {  	[spmem:s1] =	stream.indirect.scatter.add.f32 [tilespmem:s26], [sflag:$0x1], $0x1, s30, s25, $0xb8;
	[tilespmem:$0x13880] =	vst v63  }
0x67: {  	_ =	swait.ge [sflag:s23], $0x80  }
0x68: {  	s30 =	simm.s32 $0x200;
	[sflag:s23] =	ssyncset.done $0x0  }
.LBB2_4:
0x69: {  	s31 =	sshra.s32 s30, $0x2;
	[sflag:s23] =	ssyncadd.s32 $0xFFFFFF80;
	p0 =	sne.s32 s30, $0x9E00  }
0x6a: {  	[spmem:s1] =	stream.indirect.scatter.add.f32 [tilespmem:s26], [sflag:$0x1], $0x1, s31, s25, $0xb8;
	[tilespmem:$0x13880] =	vst v63  }
.Ltmp1:
0x6b: {  	_ = 	snop;
	(pc) =	sbr.rel @p0 .LBB2_4-.Ltmp1, $4  }
0x6c: {  	_ = 	snop  }
0x6d: {  	s30 =	sadd.s32 $0x200, s30  }
0x6e: {  	_ =	swait.ge [sflag:s23], $0x80  }
0x6f: {  	[sflag:s23] =	ssyncset.done $0x0  }
0x70: {  	[sflag:s23] =	ssyncadd.s32 $0xFFFFFF80;
	s2 =	sadd.s32 $0x1, s2  }
0x71: {  	s30 =	sshll.u32 s3, $0x6;
	s31 =	sshrl.u32 s4, $0x3;
	p0 =	sne.s32 s2, s5  }
.Ltmp2:
0x72: {  	[bflag:$0x0] =	sbarrier.arrive $0xFFFF;
	s30 =	sor.u32 $0x1C01, s30;
	(pc) =	sbr.rel @p0 .LBB2_1-.Ltmp2, $4  }
0x73: {  	[hbm:s24@s28], [sflag:s30] =	dma.strided [spmem:s31@s29], $0x2000, s23, $0x10   }
0x74: {  	_ =	swait.ge [sflag:s23], $0x2000  }
0x75: {  	[sflag:s23] =	ssyncset.done $0x0  }
0x76: {  	[sflag:s23] =	ssyncadd.s32 $0xFFFFE000  }
0x77: {  	_ =	sfence.sel $0x180000  }
0x78: {  	[bflag:$0x0] =	sbarrier.arrive $0xFFFF  }
0x79: {  	p0 =	sne.s32 s3, $0x0;
	_ =	strace $0x90000047  }
0x7a: {  	s0 =	sadd.s32 @!p0 $0x100000, s0;
	[bflag:$0x2] =	sbarrier.arrive $0xFFFF  }
0x7b: {  	[sflag:s0] =	ssyncadd.tile.s32 @!p0 $0x1;
	_ =	shalt  }
.Lfunc_end2:
_tile_overlayer_lowered:
.L_overlay_start_2:
0x7c: {  	(tag) =	ssettag $0x2  }
0x7d: {  	s0 =	rddreg [dreg:$0x0];
	s2 =	stileid.u32  }
0x7e: {  	s1 =	rddreg [dreg:$0x1];
	p0 =	sne.s32 s2, $0x0  }
0x7f: {  	s3 =	rddreg [dreg:$0x2];
	[bflag:$0x3] =	sbarrier.arrive $0xFFFF;
	s2 =	simm.s32 @!p0 $0x1C01  }
0x80: {  	[timem:s3], [sflag:s2] =	dma.local @!p0 [hbm:s0], s1  }
0x81: {  	s0 =	simm.s32 @!p0 $0x1  }
0x82: {  	_ =	swait.ge @!p0 [sflag:s0], s1  }
0x83: {  	s1 =	ssub.s32 @!p0 $0x0, s1;
	[sflag:s0] =	ssyncset.done @!p0 $0x0  }
0x84: {  	[sflag:s0] =	ssyncadd.s32 @!p0 s1  }
0x85: {  	[bflag:$0x3] =	sbarrier.arrive $0xFFFF  }
0x86: {  	_ =	shalt  }

</sc_bundles>
